<compile_context>
chip_gen: v7x
topology: tpu7x:2x2x1
jax: 0.10.2.dev20260603
libtpu: 0.0.44.dev20260713+nightly
codegen_flags: <defaults>
</compile_context>

<pallas_src>
import functools

import jax
import jax.numpy as jnp
from jax import lax
from jax.experimental import pallas as pl
from jax.experimental.pallas import tpu as pltpu
from jax.experimental.pallas import tpu_sc as plsc

N_NODES = 10000
HID = 256
N_EXP = 8
WEAK = 64
NB = 2000

QW = 16
NTILES = 32
CHUNK = 128
CHUNKS = 40
EPAD = NTILES * CHUNKS * CHUNK
NPAD = 12000
ROWS_PER_TILE = NPAD // 16


def _sc_agg_body(q_hbm, edges_hbm, zero_hbm, out_hbm,
                 sidx_v, didx_v, rows_v, acc_sh, sem):
    c = lax.axis_index("c")
    s = lax.axis_index("s")
    w = c * 16 + s
    r0 = s * ROWS_PER_TILE
    pltpu.sync_copy(zero_hbm.at[pl.ds(r0, ROWS_PER_TILE)],
                    acc_sh.at[pl.ds(r0, ROWS_PER_TILE)])
    pltpu.sync_copy(edges_hbm.at[0, pl.ds(w * CHUNKS, CHUNKS)], sidx_v)
    pltpu.sync_copy(edges_hbm.at[1, pl.ds(w * CHUNKS, CHUNKS)], didx_v)
    plsc.subcore_barrier()

    def fire(j, carry):
        pltpu.async_copy(q_hbm.at[sidx_v.at[j]],
                         rows_v.at[pl.ds(j * CHUNK, CHUNK)], sem)
        return carry

    lax.fori_loop(0, CHUNKS, fire, 0)
    pltpu.make_async_copy(q_hbm.at[pl.ds(0, CHUNKS * CHUNK)], rows_v, sem).wait()

    def scat(j, carry):
        pltpu.sync_copy(rows_v.at[pl.ds(j * CHUNK, CHUNK)],
                        acc_sh.at[didx_v.at[j]], add=True)
        return carry

    lax.fori_loop(0, CHUNKS, scat, 0)
    plsc.subcore_barrier()
    pltpu.sync_copy(acc_sh.at[pl.ds(r0, ROWS_PER_TILE)],
                    out_hbm.at[c, pl.ds(r0, ROWS_PER_TILE)])


@functools.partial(jax.jit, static_argnums=())
def _sc_agg(q, edges2d, zeros):
    mesh = plsc.VectorSubcoreMesh(core_axis_name="c", subcore_axis_name="s")
    f = pl.kernel(
        _sc_agg_body,
        mesh=mesh,
        compiler_params=pltpu.CompilerParams(use_tc_tiling_on_sc=False),
        out_type=jax.ShapeDtypeStruct((2, NPAD, QW), jnp.float32),
        scratch_types=[
            pltpu.VMEM((CHUNKS, CHUNK), jnp.int32),
            pltpu.VMEM((CHUNKS, CHUNK), jnp.int32),
            pltpu.VMEM((CHUNKS * CHUNK, QW), jnp.float32),
            pltpu.VMEM_SHARED((NPAD, QW), jnp.float32),
            pltpu.SemaphoreType.DMA,
        ],
    )
    return f(q, edges2d, zeros)


NBQ = 2000


def _q0_body(x_ref, wq_ref, c0_ref, q_ref):
    q_ref[...] = (
        jnp.dot(x_ref[...], wq_ref[...], preferred_element_type=jnp.float32)
        + c0_ref[...]
    )


def _q0_proj(x, wq_eff, c0):
    n, d = x.shape
    return pl.pallas_call(
        _q0_body,
        grid=(n // NBQ,),
        in_specs=[
            pl.BlockSpec((NBQ, d), lambda i: (i, 0)),
            pl.BlockSpec((d, 128), lambda i: (0, 0)),
            pl.BlockSpec((1, 128), lambda i: (0, 0)),
        ],
        out_specs=pl.BlockSpec((NBQ, 128), lambda i: (i, 0)),
        out_shape=jax.ShapeDtypeStruct((n, 128), jnp.float32),
    )(x, wq_eff, c0)


def _moe_update(h, s_ref, wr1_ref, br_ref, we1_ref, be1_ref, we2_ref, be2_ref,
                wk1_ref, bk1_ref, wk2_ref, bk2_ref):
    s = s_ref[0] + s_ref[1]
    deg = jnp.maximum(s[:, N_EXP:N_EXP + 1], 1.0)
    logits = (
        jnp.dot(h, wr1_ref[...], preferred_element_type=jnp.float32)
        + s[:, :N_EXP] / deg
        + br_ref[...]
    )

    iota = jax.lax.broadcasted_iota(jnp.int32, (NB, N_EXP), 1)
    m1 = jnp.max(logits, axis=1, keepdims=True)
    i1 = jnp.min(jnp.where(logits == m1, iota, N_EXP), axis=1, keepdims=True)
    oh1 = iota == i1
    masked = jnp.where(oh1, -3e38, logits)
    m2 = jnp.max(masked, axis=1, keepdims=True)
    i2 = jnp.min(jnp.where(masked == m2, iota, N_EXP), axis=1, keepdims=True)
    oh2 = iota == i2
    t = jnp.exp(m2 - m1)
    g1 = 1.0 / (1.0 + t)
    g2 = 1.0 - g1
    comb = g1 * oh1.astype(jnp.float32) + g2 * oh2.astype(jnp.float32)
    conf = 1.0 / jnp.sum(jnp.exp(logits - m1), axis=1, keepdims=True)

    weak = (
        jnp.dot(
            jnp.maximum(
                jnp.dot(h, wk1_ref[...], preferred_element_type=jnp.float32)
                + bk1_ref[...],
                0.0,
            ),
            wk2_ref[...],
            preferred_element_type=jnp.float32,
        )
        + bk2_ref[...]
    )

    moe = weak
    h16 = h.astype(jnp.bfloat16)
    for e in range(N_EXP):
        hid = jnp.maximum(
            jnp.dot(h16, we1_ref[e].astype(jnp.bfloat16),
                    preferred_element_type=jnp.float32) + be1_ref[e],
            0.0,
        )
        eo = jnp.dot(hid.astype(jnp.bfloat16), we2_ref[e].astype(jnp.bfloat16),
                     preferred_element_type=jnp.float32) + be2_ref[e]
        moe = moe + comb[:, e:e + 1] * eo

    return h + conf * moe


def _layer0_body(x_ref, s_ref, win_ref, binp_ref, wr1_ref, br_ref, we1_ref,
                 be1_ref, we2_ref, be2_ref, wk1_ref, bk1_ref, wk2_ref, bk2_ref,
                 wq_ref, h_out_ref, q_ref):
    h = (jnp.dot(x_ref[...], win_ref[...], preferred_element_type=jnp.float32)
         + binp_ref[...])
    hn = _moe_update(h, s_ref, wr1_ref, br_ref, we1_ref, be1_ref, we2_ref,
                     be2_ref, wk1_ref, bk1_ref, wk2_ref, bk2_ref)
    h_out_ref[...] = hn
    ones_col = (jax.lax.broadcasted_iota(jnp.int32, (NB, 128), 1) == N_EXP
                ).astype(jnp.float32)
    q_ref[...] = jnp.dot(hn, wq_ref[...], preferred_element_type=jnp.float32) + ones_col


def _layer_last_body(h_ref, s_ref, wr1_ref, br_ref, we1_ref, be1_ref,
                     we2_ref, be2_ref, wk1_ref, bk1_ref, wk2_ref, bk2_ref,
                     wo_ref, bo_ref, o_ref):
    hn = _moe_update(h_ref[...], s_ref, wr1_ref, br_ref,
                     we1_ref, be1_ref, we2_ref, be2_ref,
                     wk1_ref, bk1_ref, wk2_ref, bk2_ref)
    o_ref[...] = jnp.dot(hn, wo_ref[...], preferred_element_type=jnp.float32) + bo_ref[...]


def _layer_specs(pre, extra):
    full = lambda *s: pl.BlockSpec(s, lambda i, _ns=len(s): (0,) * _ns)
    return [
        pl.BlockSpec((NB, HID), lambda i: (i, 0)),
        pl.BlockSpec((2, NB, QW), lambda i: (0, i, 0)),
    ] + [full(*s) for s in pre] + [full(*s) for s in (
        (HID, N_EXP),
        (1, N_EXP),
        (N_EXP, HID, HID),
        (N_EXP, 1, HID),
        (N_EXP, HID, HID),
        (N_EXP, 1, HID),
        (HID, WEAK),
        (1, WEAK),
        (WEAK, HID),
        (1, HID),
    )] + [full(*s) for s in extra]


def _layer_args(wr, br, we1, be1, we2, be2, wk1, bk1, wk2, bk2):
    return (
        wr[:HID], br.reshape(1, N_EXP),
        we1, be1.reshape(N_EXP, 1, HID), we2, be2.reshape(N_EXP, 1, HID),
        wk1, bk1.reshape(1, WEAK), wk2, bk2.reshape(1, HID),
    )


def kernel(x, edge_index, Win, bin_, Wr, br, We1, be1, We2, be2, Wk1, bk1, Wk2, bk2, Wout, bout):
    n = x.shape[0]
    src = edge_index[0]
    dst = edge_index[1]

    npad_e = EPAD - src.shape[0]
    pad_ar = jnp.arange(npad_e, dtype=jnp.int32)
    edges2d = jnp.stack([
        jnp.concatenate([src * 8, (pad_ar % n) * 8]).reshape(EPAD // CHUNK, CHUNK),
        jnp.concatenate([dst, n + pad_ar % (NPAD - n)]).reshape(EPAD // CHUNK, CHUNK),
    ])
    zeros = jnp.zeros((NPAD, QW), jnp.float32)

    wq = [jnp.pad(Wr[l][HID:], ((0, 0), (0, 128 - N_EXP))) for l in range(Wr.shape[0])]
    wq0_eff = Win @ wq[0]
    c0 = (bin_ @ wq[0] + (jnp.arange(128) == N_EXP)).reshape(1, 128).astype(jnp.float32)

    q = _q0_proj(x, wq0_eff, c0)
    s = _sc_agg(q.reshape(n * 8, QW), edges2d, zeros)

    h, q = pl.pallas_call(
        _layer0_body,
        grid=(n // NB,),
        in_specs=_layer_specs([(HID, HID), (1, HID)], [(HID, 128)]),
        out_specs=[
            pl.BlockSpec((NB, HID), lambda i: (i, 0)),
            pl.BlockSpec((NB, 128), lambda i: (i, 0)),
        ],
        out_shape=[
            jax.ShapeDtypeStruct((n, HID), jnp.float32),
            jax.ShapeDtypeStruct((n, 128), jnp.float32),
        ],
    )(x, s, Win, bin_.reshape(1, HID),
      *_layer_args(Wr[0], br[0], We1[0], be1[0], We2[0], be2[0],
                   Wk1[0], bk1[0], Wk2[0], bk2[0]), wq[1])

    s = _sc_agg(q.reshape(n * 8, QW), edges2d, zeros)

    out = pl.pallas_call(
        _layer_last_body,
        grid=(n // NB,),
        in_specs=_layer_specs([], [(HID, HID), (1, HID)]),
        out_specs=pl.BlockSpec((NB, HID), lambda i: (i, 0)),
        out_shape=jax.ShapeDtypeStruct((n, HID), jnp.float32),
    )(h, s, *_layer_args(Wr[1], br[1], We1[1], be1[1], We2[1], be2[1],
                         Wk1[1], bk1[1], Wk2[1], bk2[1]), Wout, bout.reshape(1, HID))

    return out

# --- scband reference (transcript-rebuilt; emitter-appended) ---
"""Pipeline reference for scband-graph-moe-v13-confidence-gate-72267119722662 (READ-ONLY COPY).

The authoritative reference and input builder live on the scoring server;
editing this copy changes nothing except your own understanding.
"""

import jax, jax.numpy as jnp
import numpy as np

N_NODES = 10000
N_EDGES = 160000
IN_DIM = 256
HID = 256
OUT_DIM = 256
N_LAYERS = 2
N_EXP = 8
TOP_K = 2
WEAK = 64


def setup_inputs(seed: int = 0) -> dict:
    key = jax.random.key(seed)
    ks = jax.random.split(key, 12)
    inp = {}
    inp['x'] = jax.random.normal(ks[0], (N_NODES, IN_DIM), dtype=jnp.float32)
    inp['edge_index'] = jax.random.randint(ks[1], (2, N_EDGES), 0, N_NODES, dtype=jnp.int32)
    inp['Win'] = jax.random.normal(ks[2], (IN_DIM, HID), dtype=jnp.float32) * 0.06
    inp['bin_'] = jnp.zeros((HID,), dtype=jnp.float32)
    inp['Wr'] = jax.random.normal(ks[3], (N_LAYERS, 2 * HID, N_EXP), dtype=jnp.float32) * 0.04
    inp['br'] = jnp.zeros((N_LAYERS, N_EXP), dtype=jnp.float32)
    inp['We1'] = jax.random.normal(ks[4], (N_LAYERS, N_EXP, HID, HID), dtype=jnp.float32) * 0.06
    inp['be1'] = jnp.zeros((N_LAYERS, N_EXP, HID), dtype=jnp.float32)
    inp['We2'] = jax.random.normal(ks[5], (N_LAYERS, N_EXP, HID, HID), dtype=jnp.float32) * 0.06
    inp['be2'] = jnp.zeros((N_LAYERS, N_EXP, HID), dtype=jnp.float32)
    inp['Wk1'] = jax.random.normal(ks[6], (N_LAYERS, HID, WEAK), dtype=jnp.float32) * 0.06
    inp['bk1'] = jnp.zeros((N_LAYERS, WEAK), dtype=jnp.float32)
    inp['Wk2'] = jax.random.normal(ks[7], (N_LAYERS, WEAK, HID), dtype=jnp.float32) * 0.12
    inp['bk2'] = jnp.zeros((N_LAYERS, HID), dtype=jnp.float32)
    inp['Wout'] = jax.random.normal(ks[8], (HID, OUT_DIM), dtype=jnp.float32) * 0.06
    inp['bout'] = jnp.zeros((OUT_DIM,), dtype=jnp.float32)
    return inp


def reference(x, edge_index, Win, bin_, Wr, br, We1, be1, We2, be2, Wk1, bk1, Wk2, bk2, Wout, bout):
    N = x.shape[0]
    src = edge_index[0]
    dst = edge_index[1]
    h = x @ Win + bin_
    n_layers = Wr.shape[0]
    for l in range(n_layers):
        # mean-aggregate neighbor messages (scatter-add + degree normalize)
        msg = jnp.take(h, src, axis=0)
        agg = jax.ops.segment_sum(msg, dst, num_segments=N)
        deg = jax.ops.segment_sum(jnp.ones((src.shape[0], 1), h.dtype), dst, num_segments=N)
        agg = agg / jnp.maximum(deg, 1.0)
        # router_mode='combined': router sees node state concat aggregated neighborhood
        r_in = jnp.concatenate([h, agg], axis=-1)
        logits = r_in @ Wr[l] + br[l]
        probs = jax.nn.softmax(logits, axis=-1)
        # gating_mode='topk'
        topv, topi = jax.lax.top_k(logits, TOP_K)
        gates = jax.nn.softmax(topv, axis=-1)
        # confidence_gate=True: gate MoE update by router confidence
        conf = jnp.max(probs, axis=-1)
        # strong experts (dense compute, gather selected)
        hid = jax.nn.relu(jnp.einsum('nd,edf->enf', h, We1[l]) + be1[l][:, None, :])
        eout = jnp.einsum('enf,efd->end', hid, We2[l]) + be2[l][:, None, :]
        eout = jnp.transpose(eout, (1, 0, 2))  # [N, n_exp, HID]
        sel = jnp.take_along_axis(eout, topi[:, :, None], axis=1)  # [N, TOP_K, HID]
        strong = jnp.sum(gates[:, :, None] * sel, axis=1)
        # weak_strong=True: always-on weak expert
        weak = jax.nn.relu(h @ Wk1[l] + bk1[l]) @ Wk2[l] + bk2[l]
        moe = weak + strong
        h = h + conf[:, None] * moe
    return h @ Wout + bout

if __name__ == "__main__":
    import jax
    _d = setup_inputs()
    print(jax.jit(kernel)(*tuple(_d.values())))

</pallas_src>

<mosaic_0001>
#map = affine_map<(d0, d1) -> (0, 0)>
#map1 = affine_map<(d0, d1) -> (0, 0, 0)>
module attributes {stable_mosaic.version = 14 : i64} {
  func.func @_sc_agg_body(%arg0: i32, %arg1: i32, %arg2: memref<80000x16xf32, #tpu.memory_space<hbm>>, %arg3: memref<2x1280x128xi32, #tpu.memory_space<hbm>>, %arg4: memref<12000x16xf32, #tpu.memory_space<hbm>>, %arg5: memref<2x12000x16xf32, #tpu.memory_space<hbm>>, %arg6: memref<40x128xi32, #tpu.memory_space<vmem>>, %arg7: memref<40x128xi32, #tpu.memory_space<vmem>>, %arg8: memref<5120x16xf32, #tpu.memory_space<vmem>>, %arg9: memref<12000x16xf32, #tpu.memory_space<vmem_shared>>, %arg10: memref<!tpu.dma_semaphore, #tpu.memory_space<semaphore_mem>>) attributes {dimension_semantics = [#tpu.dimension_semantics<core_parallel>, #tpu.dimension_semantics<subcore_parallel>], iteration_bounds = array<i64: 2, 16>, scalar_prefetch = 0 : i64, scratch_operands = 5 : i64, tpu.core_type = #tpu.core_type<sc_vector_subcore>, window_params = [{transform_indices = #map}, {transform_indices = #map1}, {transform_indices = #map}, {transform_indices = #map1}]} {
    %mul3A = arith.constant 16 : i32
    %mul3A_0 = arith.muli %arg0, %mul3A : i32
    %add3A = arith.addi %mul3A_0, %arg1 : i32
    %mul3A_1 = arith.constant 750 : i32
    %mul3A_2 = arith.muli %arg1, %mul3A_1 : i32
    "tpu.region"() ({
      %run_scoped3A_25 = tpu.sem_alloc : memref<!tpu.dma_semaphore, #tpu.memory_space<semaphore_mem>>
      %dma_start3A = arith.constant 0 : i32
      %dma_start3A_26 = tpu.memref_slice %arg9[%mul3A_2, %dma_start3A] : memref<12000x16xf32, #tpu.memory_space<vmem_shared>> -> memref<750x16xf32, #tpu.memory_space<vmem_shared>>
      %dma_start3A_27 = arith.constant 0 : i32
      %dma_start3A_28 = tpu.memref_slice %arg4[%mul3A_2, %dma_start3A_27] : memref<12000x16xf32, #tpu.memory_space<hbm>> -> memref<750x16xf32, #tpu.memory_space<hbm>>
      tpu.enqueue_dma source(%dma_start3A_28 : memref<750x16xf32, #tpu.memory_space<hbm>>) target(%dma_start3A_26 : memref<750x16xf32, #tpu.memory_space<vmem_shared>>) target_semaphore(%run_scoped3A_25 : memref<!tpu.dma_semaphore, #tpu.memory_space<semaphore_mem>>)
      %dma_wait3A_29 = arith.constant 0 : i32
      %dma_wait3A_30 = tpu.memref_slice %arg9[%mul3A_2, %dma_wait3A_29] : memref<12000x16xf32, #tpu.memory_space<vmem_shared>> -> memref<750x16xf32, #tpu.memory_space<vmem_shared>>
      %dma_wait3A_31 = arith.constant 0 : i32
      %dma_wait3A_32 = tpu.memref_slice %arg4[%mul3A_2, %dma_wait3A_31] : memref<12000x16xf32, #tpu.memory_space<hbm>> -> memref<750x16xf32, #tpu.memory_space<hbm>>
      tpu.wait_dma2 semaphore(%run_scoped3A_25 : memref<!tpu.dma_semaphore, #tpu.memory_space<semaphore_mem>>) src(%dma_wait3A_32 : memref<750x16xf32, #tpu.memory_space<hbm>>) dst(%dma_wait3A_30 : memref<750x16xf32, #tpu.memory_space<vmem_shared>>)
      tpu.yield
    }) : () -> ()
    %mul3A_3 = arith.constant 40 : i32
    %mul3A_4 = arith.muli %add3A, %mul3A_3 : i32
    %run_scoped3A = arith.constant 0 : i32
    "tpu.region"() ({
      %run_scoped3A_25 = tpu.sem_alloc : memref<!tpu.dma_semaphore, #tpu.memory_space<semaphore_mem>>
      %dma_start3A = arith.constant 0 : i32
      %dma_start3A_26 = tpu.memref_slice %arg3[%run_scoped3A, %mul3A_4, %dma_start3A] : memref<2x1280x128xi32, #tpu.memory_space<hbm>> -> memref<1x40x128xi32, #tpu.memory_space<hbm>>
      %dma_start3A_27 = tpu.memref_squeeze %dma_start3A_26 : memref<1x40x128xi32, #tpu.memory_space<hbm>> -> memref<40x128xi32, #tpu.memory_space<hbm>>
      %dma_start3A_28 = arith.constant 0 : i32
      %dma_start3A_29 = tpu.memref_slice %arg3[%run_scoped3A, %mul3A_4, %dma_start3A_28] : memref<2x1280x128xi32, #tpu.memory_space<hbm>> -> memref<1x40x128xi32, #tpu.memory_space<hbm>>
      %dma_start3A_30 = tpu.memref_squeeze %dma_start3A_29 : memref<1x40x128xi32, #tpu.memory_space<hbm>> -> memref<40x128xi32, #tpu.memory_space<hbm>>
      tpu.enqueue_dma source(%dma_start3A_30 : memref<40x128xi32, #tpu.memory_space<hbm>>) target(%arg6 : memref<40x128xi32, #tpu.memory_space<vmem>>) target_semaphore(%run_scoped3A_25 : memref<!tpu.dma_semaphore, #tpu.memory_space<semaphore_mem>>)
      %dma_wait3A_31 = arith.constant 0 : i32
      %dma_wait3A_32 = tpu.memref_slice %arg3[%run_scoped3A, %mul3A_4, %dma_wait3A_31] : memref<2x1280x128xi32, #tpu.memory_space<hbm>> -> memref<1x40x128xi32, #tpu.memory_space<hbm>>
      %dma_wait3A_33 = tpu.memref_squeeze %dma_wait3A_32 : memref<1x40x128xi32, #tpu.memory_space<hbm>> -> memref<40x128xi32, #tpu.memory_space<hbm>>
      %dma_wait3A_34 = arith.constant 0 : i32
      %dma_wait3A_35 = tpu.memref_slice %arg3[%run_scoped3A, %mul3A_4, %dma_wait3A_34] : memref<2x1280x128xi32, #tpu.memory_space<hbm>> -> memref<1x40x128xi32, #tpu.memory_space<hbm>>
      %dma_wait3A_36 = tpu.memref_squeeze %dma_wait3A_35 : memref<1x40x128xi32, #tpu.memory_space<hbm>> -> memref<40x128xi32, #tpu.memory_space<hbm>>
      tpu.wait_dma2 semaphore(%run_scoped3A_25 : memref<!tpu.dma_semaphore, #tpu.memory_space<semaphore_mem>>) src(%dma_wait3A_36 : memref<40x128xi32, #tpu.memory_space<hbm>>) dst(%arg6 : memref<40x128xi32, #tpu.memory_space<vmem>>)
      tpu.yield
    }) : () -> ()
    %mul3A_5 = arith.constant 40 : i32
    %mul3A_6 = arith.muli %add3A, %mul3A_5 : i32
    %run_scoped3A_7 = arith.constant 1 : i32
    "tpu.region"() ({
      %run_scoped3A_25 = tpu.sem_alloc : memref<!tpu.dma_semaphore, #tpu.memory_space<semaphore_mem>>
      %dma_start3A = arith.constant 0 : i32
      %dma_start3A_26 = tpu.memref_slice %arg3[%run_scoped3A_7, %mul3A_6, %dma_start3A] : memref<2x1280x128xi32, #tpu.memory_space<hbm>> -> memref<1x40x128xi32, #tpu.memory_space<hbm>>
      %dma_start3A_27 = tpu.memref_squeeze %dma_start3A_26 : memref<1x40x128xi32, #tpu.memory_space<hbm>> -> memref<40x128xi32, #tpu.memory_space<hbm>>
      %dma_start3A_28 = arith.constant 0 : i32
      %dma_start3A_29 = tpu.memref_slice %arg3[%run_scoped3A_7, %mul3A_6, %dma_start3A_28] : memref<2x1280x128xi32, #tpu.memory_space<hbm>> -> memref<1x40x128xi32, #tpu.memory_space<hbm>>
      %dma_start3A_30 = tpu.memref_squeeze %dma_start3A_29 : memref<1x40x128xi32, #tpu.memory_space<hbm>> -> memref<40x128xi32, #tpu.memory_space<hbm>>
      tpu.enqueue_dma source(%dma_start3A_30 : memref<40x128xi32, #tpu.memory_space<hbm>>) target(%arg7 : memref<40x128xi32, #tpu.memory_space<vmem>>) target_semaphore(%run_scoped3A_25 : memref<!tpu.dma_semaphore, #tpu.memory_space<semaphore_mem>>)
      %dma_wait3A_31 = arith.constant 0 : i32
      %dma_wait3A_32 = tpu.memref_slice %arg3[%run_scoped3A_7, %mul3A_6, %dma_wait3A_31] : memref<2x1280x128xi32, #tpu.memory_space<hbm>> -> memref<1x40x128xi32, #tpu.memory_space<hbm>>
      %dma_wait3A_33 = tpu.memref_squeeze %dma_wait3A_32 : memref<1x40x128xi32, #tpu.memory_space<hbm>> -> memref<40x128xi32, #tpu.memory_space<hbm>>
      %dma_wait3A_34 = arith.constant 0 : i32
      %dma_wait3A_35 = tpu.memref_slice %arg3[%run_scoped3A_7, %mul3A_6, %dma_wait3A_34] : memref<2x1280x128xi32, #tpu.memory_space<hbm>> -> memref<1x40x128xi32, #tpu.memory_space<hbm>>
      %dma_wait3A_36 = tpu.memref_squeeze %dma_wait3A_35 : memref<1x40x128xi32, #tpu.memory_space<hbm>> -> memref<40x128xi32, #tpu.memory_space<hbm>>
      tpu.wait_dma2 semaphore(%run_scoped3A_25 : memref<!tpu.dma_semaphore, #tpu.memory_space<semaphore_mem>>) src(%dma_wait3A_36 : memref<40x128xi32, #tpu.memory_space<hbm>>) dst(%arg7 : memref<40x128xi32, #tpu.memory_space<vmem>>)
      tpu.yield
    }) : () -> ()
    %barrier3A = arith.constant 0 : index
    tpu.barrier barrier_id(%barrier3A)
    %scan3A = arith.constant 0 : i32
    %scan3A_8 = arith.constant 0 : i32
    %scan3A_9 = arith.constant 40 : i32
    %scan3A_10 = arith.addi %scan3A_8, %scan3A_9 : i32
    %scan3A_11 = arith.constant 1 : i32
    scf.for %scan3A_25 = %scan3A_8 to %scan3A_10 step %scan3A_11  : i32 {
      %mul3A_26 = arith.constant 128 : i32
      %mul3A_27 = arith.muli %scan3A_25, %mul3A_26 : i32
      %dma_start3A = arith.constant 0 : i32
      %dma_start3A_28 = tpu.memref_slice %arg8[%mul3A_27, %dma_start3A] : memref<5120x16xf32, #tpu.memory_space<vmem>> -> memref<128x16xf32, #tpu.memory_space<vmem>>
      %dma_start3A_29 = arith.constant 0 : i32
      %dma_start3A_30 = tpu.memref_slice %arg6[%scan3A_25, %dma_start3A_29] : memref<40x128xi32, #tpu.memory_space<vmem>> -> memref<1x128xi32, #tpu.memory_space<vmem>>
      %dma_start3A_31 = tpu.memref_squeeze %dma_start3A_30 : memref<1x128xi32, #tpu.memory_space<vmem>> -> memref<128xi32, #tpu.memory_space<vmem>>
      %dma_start3A_32 = arith.constant 0 : i32
      %dma_start3A_33 = arith.constant 0 : i32
      %dma_start3A_34 = tpu.memref_slice %arg2[%dma_start3A_32, %dma_start3A_33] : memref<80000x16xf32, #tpu.memory_space<hbm>> -> memref<80000x16xf32, #tpu.memory_space<hbm>>
      tpu.enqueue_indirect_dma source(%dma_start3A_34 : memref<80000x16xf32, #tpu.memory_space<hbm>>) target(%dma_start3A_28 : memref<128x16xf32, #tpu.memory_space<vmem>>) offsets(%dma_start3A_31 : memref<128xi32, #tpu.memory_space<vmem>>) semaphore(%arg10 : memref<!tpu.dma_semaphore, #tpu.memory_space<semaphore_mem>>)
    }
    %scan3A_12 = arith.constant 40 : i32
    %dma_wait3A = arith.constant 0 : i32
    %dma_wait3A_13 = arith.constant 0 : i32
    %dma_wait3A_14 = tpu.memref_slice %arg2[%dma_wait3A, %dma_wait3A_13] : memref<80000x16xf32, #tpu.memory_space<hbm>> -> memref<5120x16xf32, #tpu.memory_space<hbm>>
    %dma_wait3A_15 = arith.constant 0 : i32
    %dma_wait3A_16 = arith.constant 0 : i32
    %dma_wait3A_17 = tpu.memref_slice %arg2[%dma_wait3A_15, %dma_wait3A_16] : memref<80000x16xf32, #tpu.memory_space<hbm>> -> memref<5120x16xf32, #tpu.memory_space<hbm>>
    tpu.wait_dma2 semaphore(%arg10 : memref<!tpu.dma_semaphore, #tpu.memory_space<semaphore_mem>>) src(%dma_wait3A_17 : memref<5120x16xf32, #tpu.memory_space<hbm>>) dst(%arg8 : memref<5120x16xf32, #tpu.memory_space<vmem>>)
    %scan3A_18 = arith.constant 0 : i32
    %scan3A_19 = arith.constant 0 : i32
    %scan3A_20 = arith.constant 40 : i32
    %scan3A_21 = arith.addi %scan3A_19, %scan3A_20 : i32
    %scan3A_22 = arith.constant 1 : i32
    scf.for %scan3A_25 = %scan3A_19 to %scan3A_21 step %scan3A_22  : i32 {
      %mul3A_26 = arith.constant 128 : i32
      %mul3A_27 = arith.muli %scan3A_25, %mul3A_26 : i32
      "tpu.region"() ({
        %run_scoped3A_28 = tpu.sem_alloc : memref<!tpu.dma_semaphore, #tpu.memory_space<semaphore_mem>>
        %dma_start3A = arith.constant 0 : i32
        %dma_start3A_29 = tpu.memref_slice %arg8[%mul3A_27, %dma_start3A] : memref<5120x16xf32, #tpu.memory_space<vmem>> -> memref<128x16xf32, #tpu.memory_space<vmem>>
        %dma_start3A_30 = arith.constant 0 : i32
        %dma_start3A_31 = tpu.memref_slice %arg7[%scan3A_25, %dma_start3A_30] : memref<40x128xi32, #tpu.memory_space<vmem>> -> memref<1x128xi32, #tpu.memory_space<vmem>>
        %dma_start3A_32 = tpu.memref_squeeze %dma_start3A_31 : memref<1x128xi32, #tpu.memory_space<vmem>> -> memref<128xi32, #tpu.memory_space<vmem>>
        %dma_start3A_33 = arith.constant 0 : i32
        %dma_start3A_34 = arith.constant 0 : i32
        %dma_start3A_35 = tpu.memref_slice %arg9[%dma_start3A_33, %dma_start3A_34] : memref<12000x16xf32, #tpu.memory_space<vmem_shared>> -> memref<12000x16xf32, #tpu.memory_space<vmem_shared>>
        tpu.enqueue_indirect_dma source(%dma_start3A_29 : memref<128x16xf32, #tpu.memory_space<vmem>>) target(%dma_start3A_35 : memref<12000x16xf32, #tpu.memory_space<vmem_shared>>) offsets(%dma_start3A_32 : memref<128xi32, #tpu.memory_space<vmem>>) semaphore(%run_scoped3A_28 : memref<!tpu.dma_semaphore, #tpu.memory_space<semaphore_mem>>) {add = true}
        %dma_wait3A_36 = arith.constant 0 : i32
        %dma_wait3A_37 = tpu.memref_slice %arg8[%mul3A_27, %dma_wait3A_36] : memref<5120x16xf32, #tpu.memory_space<vmem>> -> memref<128x16xf32, #tpu.memory_space<vmem>>
        %dma_wait3A_38 = arith.constant 0 : i32
        %dma_wait3A_39 = tpu.memref_slice %arg7[%scan3A_25, %dma_wait3A_38] : memref<40x128xi32, #tpu.memory_space<vmem>> -> memref<1x128xi32, #tpu.memory_space<vmem>>
        %dma_wait3A_40 = tpu.memref_squeeze %dma_wait3A_39 : memref<1x128xi32, #tpu.memory_space<vmem>> -> memref<128xi32, #tpu.memory_space<vmem>>
        %dma_wait3A_41 = arith.constant 0 : i32
        %dma_wait3A_42 = arith.constant 0 : i32
        %dma_wait3A_43 = tpu.memref_slice %arg9[%dma_wait3A_41, %dma_wait3A_42] : memref<12000x16xf32, #tpu.memory_space<vmem_shared>> -> memref<12000x16xf32, #tpu.memory_space<vmem_shared>>
        tpu.wait_indirect_dma semaphore(%run_scoped3A_28 : memref<!tpu.dma_semaphore, #tpu.memory_space<semaphore_mem>>) src(%dma_wait3A_37 : memref<128x16xf32, #tpu.memory_space<vmem>>) dst(%dma_wait3A_43 : memref<12000x16xf32, #tpu.memory_space<vmem_shared>>)
        tpu.yield
      }) : () -> ()
    }
    %scan3A_23 = arith.constant 40 : i32
    %barrier3A_24 = arith.constant 0 : index
    tpu.barrier barrier_id(%barrier3A_24)
    "tpu.region"() ({
      %run_scoped3A_25 = tpu.sem_alloc : memref<!tpu.dma_semaphore, #tpu.memory_space<semaphore_mem>>
      %dma_start3A = arith.constant 0 : i32
      %dma_start3A_26 = tpu.memref_slice %arg5[%arg0, %mul3A_2, %dma_start3A] : memref<2x12000x16xf32, #tpu.memory_space<hbm>> -> memref<1x750x16xf32, #tpu.memory_space<hbm>>
      %dma_start3A_27 = tpu.memref_squeeze %dma_start3A_26 : memref<1x750x16xf32, #tpu.memory_space<hbm>> -> memref<750x16xf32, #tpu.memory_space<hbm>>
      %dma_start3A_28 = arith.constant 0 : i32
      %dma_start3A_29 = tpu.memref_slice %arg9[%mul3A_2, %dma_start3A_28] : memref<12000x16xf32, #tpu.memory_space<vmem_shared>> -> memref<750x16xf32, #tpu.memory_space<vmem_shared>>
      tpu.enqueue_dma source(%dma_start3A_29 : memref<750x16xf32, #tpu.memory_space<vmem_shared>>) target(%dma_start3A_27 : memref<750x16xf32, #tpu.memory_space<hbm>>) target_semaphore(%run_scoped3A_25 : memref<!tpu.dma_semaphore, #tpu.memory_space<semaphore_mem>>)
      %dma_wait3A_30 = arith.constant 0 : i32
      %dma_wait3A_31 = tpu.memref_slice %arg5[%arg0, %mul3A_2, %dma_wait3A_30] : memref<2x12000x16xf32, #tpu.memory_space<hbm>> -> memref<1x750x16xf32, #tpu.memory_space<hbm>>
      %dma_wait3A_32 = tpu.memref_squeeze %dma_wait3A_31 : memref<1x750x16xf32, #tpu.memory_space<hbm>> -> memref<750x16xf32, #tpu.memory_space<hbm>>
      %dma_wait3A_33 = arith.constant 0 : i32
      %dma_wait3A_34 = tpu.memref_slice %arg9[%mul3A_2, %dma_wait3A_33] : memref<12000x16xf32, #tpu.memory_space<vmem_shared>> -> memref<750x16xf32, #tpu.memory_space<vmem_shared>>
      tpu.wait_dma2 semaphore(%run_scoped3A_25 : memref<!tpu.dma_semaphore, #tpu.memory_space<semaphore_mem>>) src(%dma_wait3A_34 : memref<750x16xf32, #tpu.memory_space<vmem_shared>>) dst(%dma_wait3A_32 : memref<750x16xf32, #tpu.memory_space<hbm>>)
      tpu.yield
    }) : () -> ()
    return
  }
}

</mosaic_0001>

<sc_bundles>
// kernel: _sc_agg.3.cloned.1.call-start
scs
__scs_entry_jumppad:
0x0: {  	(pc) =	sbr.rel $0x88, $3  }
0x1: {  	(tag) =	ssettag $0x0;
	lr =	simm.s32 $0x1  }
0x2: {  	[smem:$0x3F9E] =	sst lr;
	_ =	strace $0xD0000000  }
0x3: {  	_ = 	snop  }
0x4: {  	_ = 	snop  }
0x5: {  	_ = 	snop  }
0x6: {  	_ = 	snop  }
0x7: {  	_ = 	snop  }
__scs_overlays_trampoline_lowered:
0x8: {  	[smem:$0x3FAD] =	sst s0  }
0x9: {  	[smem:$0x3FAE] =	sst s1  }
0xa: {  	[smem:$0x3FAF] =	sst s2  }
0xb: {  	[smem:$0x3FB0] =	sst s3  }
0xc: {  	[smem:$0x3FB1] =	sst s4  }
0xd: {  	[smem:$0x3FB2] =	sst s5  }
0xe: {  	[smem:$0x3FB3] =	sst s6  }
0xf: {  	[smem:$0x3FB4] =	sst s7  }
0x10: {  	[smem:$0x3FB5] =	sst s8  }
0x11: {  	[smem:$0x3FB6] =	sst s9;
	s0 =	simm.s32 @!p0 $0x0  }
0x12: {  	s1 =	sld [smem:$0x3F9C];
	s0 =	simm.s32 @p0 $0x1  }
0x13: {  	[smem:$0x3FB7] =	sst s0;
	s0 =	simm.s32 @!p1 $0x0  }
0x14: {  	s2 =	sld [smem:$0x3F9B];
	s0 =	simm.s32 @p1 $0x1  }
0x15: {  	[smem:$0x3FB8] =	sst s0;
	s0 =	simm.s32 @!p2 $0x0  }
0x16: {  	s3 =	sld [smem:$0x3FDB];
	s0 =	simm.s32 @p2 $0x1  }
0x17: {  	s4 =	simm.s32 $0x1BF5;
	[smem:$0x3FBA] =	sst s0  }
0x18: {  	s0 =	sld [smem:$0x3F9D];
	_ =	swait.ge [sflag:s4], $0x0  }
0x19: {  	s7 =	sld [smem:$0x3F9E]  }
0x1a: {  	s8 =	sadd.s32 $0xFFFFE003, lr  }
0x1b: {  	s9 =	sadd.s32 $0xFFFFFEF7, lr;
	s5 =	simm.s32 $0xFFFFFFFF;
	p2 =	slt.u32 s8, $0xFFFFF086  }
0x1c: {  	p1 =	slt.u32 s9, $0xF7A;
	s5 =	simm.s32 @!p2 $0x0  }
0x1d: {  	s5 =	simm.s32 @p1 $0x1;
	p0 =	seq.s32 s7, s2  }
0x1e: {  	s7 =	smul.u32 @!p0 $0xF7A, s2;
	p2 =	seq.s32 @!p0 s5, $0x0  }
0x1f: {  	s9 =	smul.u32 $0xF7A, s1;
	s8 =	simm.s32 @!p0 $0x1BF5;
	p2 =	por !p2, p0  }
0x20: {  	[sflag:s8] =	ssyncset.s32 @!p0 $0xFFFFF086;
	s6 =	sadd.s32 @!p0 s3, s7;
	s7 =	simm.s32 @!p0 $0x108  }
0x21: {  	s3 =	sadd.s32 s3, s9;
	s6 =	sadd.s32 @!p0 $0x88, s6;
	s7 =	simm.s32 @p2 $0x1082  }
0x22: {  	[simem:s7], [sflag:s8] =	dma.local @!p0 [hbm:s6], $0xF7A  }
0x23: {  	s9 =	sor.u32 $0xD0000000, s2;
	s6 =	simm.s32 $0x108;
	_ =	swait.ge @!p0 [sflag:s8], $0x0  }
0x24: {  	s3 =	sadd.s32 $0x88, s3;
	s6 =	simm.s32 @!p1 $0x1082;
	[sflag:s4] =	ssyncset.s32 $0xFFFFF086  }
0x25: {  	[simem:s6], [sflag:s4] =	dma.local [hbm:s3], $0xF7A  }
0x26: {  	[smem:$0x3F9E] =	sst s1;
	(tag) =	ssettag s2;
	_ =	strace s9  }
0x27: {  	s1 =	sld [smem:$0x3FAE]  }
0x28: {  	s2 =	sld [smem:$0x3FAF]  }
0x29: {  	s4 =	sld [smem:$0x3FB1]  }
0x2a: {  	p0 =	seq.s32 s5, $0x0;
	s5 =	sld [smem:$0x3FB2]  }
0x2b: {  	s6 =	sld [smem:$0x3FB3]  }
0x2c: {  	s7 =	sld [smem:$0x3FB4]  }
0x2d: {  	s3 =	simm.s32 $0x108;
	s8 =	sld [smem:$0x3FB5]  }
0x2e: {  	s3 =	simm.s32 @!p0 $0x1082;
	s9 =	sld [smem:$0x3FB6]  }
0x2f: {  	lr =	sadd.s32 s0, s3;
	s0 =	sld [smem:$0x3FAD]  }
0x30: {  	s3 =	sld [smem:$0x3FB0]  }
0x31: {  	[smem:$0x3FB9] =	sst s10  }
0x32: {  	s10 =	sld [smem:$0x3FB7];
	_ =	sdelay $0x3  }
0x33: {  	p0 =	seq.s32 s10, $0x1;
	s10 =	sld [smem:$0x3FB9];
	_ =	sdelay $0x3  }
0x34: {  	[smem:$0x3FB9] =	sst s10  }
0x35: {  	s10 =	sld [smem:$0x3FB8];
	_ =	sdelay $0x3  }
0x36: {  	p1 =	seq.s32 s10, $0x1;
	s10 =	sld [smem:$0x3FB9];
	_ =	sdelay $0x3  }
0x37: {  	[smem:$0x3FB9] =	sst s10  }
0x38: {  	s10 =	sld [smem:$0x3FBA]  }
0x39: {  	_ = 	snop;
	(pc) =	sbr.ind lr, $3  }
0x3a: {  	_ = 	snop  }
0x3b: {  	_ = 	snop  }
0x3c: {  	p2 =	seq.s32 s10, $0x1;
	s10 =	sld [smem:$0x3FB9]  }
0x3d: {  	_ =	shalt  }
0x3e: {  	_ =	shalt  }
0x3f: {  	_ =	shalt  }
0x40: {  	_ =	shalt  }
0x41: {  	_ =	shalt  }
0x42: {  	_ =	shalt  }
0x43: {  	_ =	shalt  }
0x44: {  	_ =	shalt  }
0x45: {  	_ =	shalt  }
0x46: {  	_ =	shalt  }
0x47: {  	_ =	shalt  }
0x48: {  	_ =	shalt  }
0x49: {  	_ =	shalt  }
0x4a: {  	_ =	shalt  }
0x4b: {  	_ =	shalt  }
0x4c: {  	_ =	shalt  }
0x4d: {  	_ =	shalt  }
0x4e: {  	_ =	shalt  }
0x4f: {  	_ =	shalt  }
0x50: {  	_ =	shalt  }
0x51: {  	_ =	shalt  }
0x52: {  	_ =	shalt  }
0x53: {  	_ =	shalt  }
0x54: {  	_ =	shalt  }
0x55: {  	_ =	shalt  }
0x56: {  	_ =	shalt  }
0x57: {  	_ =	shalt  }
0x58: {  	_ =	shalt  }
0x59: {  	_ =	shalt  }
0x5a: {  	_ =	shalt  }
0x5b: {  	_ =	shalt  }
0x5c: {  	_ =	shalt  }
0x5d: {  	_ =	shalt  }
0x5e: {  	_ =	shalt  }
0x5f: {  	_ =	shalt  }
0x60: {  	_ =	shalt  }
0x61: {  	_ =	shalt  }
0x62: {  	_ =	shalt  }
0x63: {  	_ =	shalt  }
0x64: {  	_ =	shalt  }
0x65: {  	_ =	shalt  }
0x66: {  	_ =	shalt  }
0x67: {  	_ =	shalt  }
0x68: {  	_ =	shalt  }
0x69: {  	_ =	shalt  }
0x6a: {  	_ =	shalt  }
0x6b: {  	_ =	shalt  }
0x6c: {  	_ =	shalt  }
0x6d: {  	_ =	shalt  }
0x6e: {  	_ =	shalt  }
0x6f: {  	_ =	shalt  }
0x70: {  	_ =	shalt  }
0x71: {  	_ =	shalt  }
0x72: {  	_ =	shalt  }
0x73: {  	_ =	shalt  }
0x74: {  	_ =	shalt  }
0x75: {  	_ =	shalt  }
0x76: {  	_ =	shalt  }
0x77: {  	_ =	shalt  }
0x78: {  	_ =	shalt  }
0x79: {  	_ =	shalt  }
0x7a: {  	_ =	shalt  }
0x7b: {  	_ =	shalt  }
0x7c: {  	_ =	shalt  }
0x7d: {  	_ =	shalt  }
0x7e: {  	_ =	shalt  }
0x7f: {  	_ =	shalt  }
0x80: {  	_ =	shalt  }
0x81: {  	_ =	shalt  }
0x82: {  	_ =	shalt  }
0x83: {  	_ =	shalt  }
0x84: {  	_ =	shalt  }
0x85: {  	_ =	shalt  }
0x86: {  	_ =	shalt  }
0x87: {  	_ =	shalt  }
.Lfunc_end0:
.L_simem_size_0:
called_computation_lowered:
.L_overlay_start_0:
0x88: {  	s2 =	sld [smem:$0x3FD9]  }
0x89: {  	s3 =	sld [smem:$0x3FFE];
	_ =	sdelay $0x1  }
0x8a: {  	s1 =	srdreg.scid  }
0x8b: {  	s0 =	sand.u32 $0x1, s1  }
0x8c: {  	s17 =	sshll.u32 s0, $0xA;
	s2 =	sadd.s32 s3, s2  }
0x8d: {  	s2 =	sadd.s32 s2, s17  }
0x8e: {  	[smem:$0x3FC5] =	sst s2  }
0x8f: {  	_ = 	snop  }
0x90: {  	s2 =	sld [smem:$0x3FC8]  }
0x91: {  	s18 =	sld [smem:$0x3FD0];
	(tm) =	ssettm $0x1  }
0x92: {  	s4 =	sld [smem:$0x3FFB];
	_ =	sdelay $0x3  }
0x93: {  	_ =	strace s4  }
0x94: {  	s4 =	sld [smem:$0x3FFC];
	_ =	sdelay $0x3  }
0x95: {  	_ =	strace s4  }
0x96: {  	s4 =	sld [smem:$0x3FFD];
	_ =	sdelay $0x3  }
0x97: {  	_ =	strace s4  }
0x98: {  	_ =	strace $0x8FFFFFFF  }
0x99: {  	s19 =	sld [smem:$0x3FDB];
	_ =	sdelay $0x1  }
0x9a: {  	s5 =	simm.s32 $_scs_section_size  }
0x9b: {  	s6 =	simm.s32 $_size__tile_overlayer_lowered;
	s7 =	simm.s32 $_tile_overlayer_lowered  }
0x9c: {  	s22 =	simm.s32 $0x1BFF;
	s21 =	sshll.u32 s7, $0x1;
	s4 =	sadd.s32 s5, s19  }
0x9d: {  	s8 =	simm.s32 $0x0;
	s20 =	sshll.u32 s6, $0x1;
	s6 =	sadd.s32 s21, s4  }
0x9e: {  	[timem:s8], [sflag:s22] =	dma.local [hbm:s6], s20  }
0x9f: {  	_ =	swait.ge [sflag:s22], s20  }
0xa0: {  	s5 =	ssub.s32 $0x0, s20;
	[sflag:s22] =	ssyncset.done $0x0  }
0xa1: {  	[sflag:s22] =	ssyncadd.s32 s5;
	_ =	sdelay $0x1  }
0xa2: {  	s23 =	simm.s32 $0x1B8B  }
0xa3: {  	_ =	swait.ge [sflag:s23], $0x1  }
0xa4: {  	[sflag:s23] =	ssyncset.done $0x0  }
0xa5: {  	s25 =	simm.s32 $0x1B8E;
	s24 =	sld [smem:$0x3FFE];
	[sflag:s23] =	ssyncadd.s32 $0xFFFFFFFF  }
0xa6: {  	s26 =	simm.s32 $execute0_lowered;
	[smem:$0x3FD2] =	sst s25  }
0xa7: {  	s6 =	sshll.u32 s26, $0x1;
	_ =	strace $0x80000046;
	[dreg:$0x1] =	wrdreg $0xFFFFFFFF  }
0xa8: {  	s28 =	simm.s32 $_size_execute0_lowered;
	s4 =	sadd.s32 s4, s6;
	[dreg:$0x0] =	wrdreg $0x0  }
0xa9: {  	s6 =	sshll.u32 s28, $0x1;
	[dreg:$0x2] =	wrdreg s4  }
0xaa: {  	[dreg:$0x3] =	wrdreg s6  }
0xab: {  	[dreg:$0x4] =	wrdreg $0xC0  }
0xac: {  	_ =	task [dreg:s8], $0x5FFFF  }
0xad: {  	[dreg:$0x1] =	wrdreg $0xFFFFFFFF  }
0xae: {  	[dreg:$0x0] =	wrdreg $0x60  }
0xaf: {  	[dreg:$0x2] =	wrdreg s24  }
0xb0: {  	[dreg:$0x3] =	wrdreg s2  }
0xb1: {  	[dreg:$0x4] =	wrdreg s18  }
0xb2: {  	[dreg:$0x5] =	wrdreg $0x168000  }
0xb3: {  	[dreg:$0x6] =	wrdreg $0x9  }
0xb4: {  	_ =	task.clear_ibuf [dreg:s8], $0x7FFFF;
	_ =	strace $0x90000046  }
0xb5: {  	s29 =	simm.s32 $0x9;
	_ =	strace $0x80000048  }
0xb6: {  	_ =	swait.ge [sflag:s29], $0x1  }
0xb7: {  	[sflag:s29] =	ssyncadd.s32 $0xFFFFFFFF  }
0xb8: {  	_ =	strace $0x90000048  }
0xb9: {  	_ =	sfence  }
0xba: {  	s30 =	sld [smem:$0x0];
	_ =	sdelay $0x2  }
0xbb: {  	s31 =	sshll.u32 s1, $0xD;
	s1 =	sshrl.u32 s1, $0x2  }
0xbc: {  	s3 =	sand.u32 $0x4000, s31;
	s1 =	sadd.s32 s1, s30  }
0xbd: {  	s0 =	sor.u32 s3, s0;
	s1 =	sshll.u32 s1, $0x11  }
0xbe: {  	s0 =	sor.u32 s1, s0  }
0xbf: {  	s0 =	sadd.s32 $0x8F2B, s0  }
0xc0: {  	[sflag:s0] =	ssyncadd.remote.s32 $0x1  }
0xc1: {  	_ =	sfence.sel $0xFFFF  }
0xc2: {  	[dreg:$0x0] =	wrdreg $0xFFFFFFFF;
	(pc) =	sbr.abs _section_cstart, $3  }
0xc3: {  	[dreg:$0x1] =	wrdreg $0xFFFFFFFF  }
0xc4: {  	_ =	task.clear_ibuf [dreg:s8], $0x2FFFF;
	_ =	strace $0x9FFFFFFF  }
0xc5: {  	(tm) =	ssettm $0x7FFFFFFF  }
tec
execute0_lowered:
.L_overlay_start_1:
0x0: {  	(tag) =	ssettag $0x1  }
0x1: {  	s5 =	rddreg [dreg:$0x0]  }
0x2: {  	s7 =	rddreg [dreg:$0x1]  }
0x3: {  	s9 =	rddreg [dreg:$0x2]  }
0x4: {  	s2 =	rddreg [dreg:$0x3]  }
0x5: {  	s0 =	rddreg [dreg:$0x4];
	s4 =	srdreg.scid  }
0x6: {  	s3 =	simm.s32 $0x0;
	s1 =	stileid.u32;
	s14 =	simm.s32 $0x80  }
0x7: {  	s15 =	simm.s32 $0x1;
	s16 =	simm.s32 $0x0;
	s6 =	sand.u32 $0x1, s4  }
0x8: {  	[smem:$0x7FF] =	sst s3;
	s8 =	smul.u32 $0x2EE0, s1;
	s4 =	sadd.s32 $0x138E00, s5  }
0x9: {  	s13 =	sshll.u32 s1, $0x6;
	s10 =	sshll.u32 s6, $0x4;
	_ =	strace $0x80000047  }
0xa: {  	s12 =	ssub.s32 $0x2, s6;
	s6 =	smul.u32 $0x2EE00, s6;
	s10 =	sor.u32 s1, s10  }
0xb: {  	s11 =	sshrl.u32 s8, $0x3;
	s29 =	sshrl.u32 s12, $0x1;
	s30 =	sadd.s32 s8, s2  }
0xc: {  	s10 =	smul.u32 $0x1400, s10;
	s5 =	sadd.s32 s11, s5;
	s11 =	ssub.s32 s12, s29  }
0xd: {  	s8 =	sadd.s32 s8, s6;
	s6 =	sor.u32 $0x1C02, s13;
	s12 =	simm.s32 $0x2  }
0xe: {  	s13 =	simm.s32 $0x1400;
	s31 =	sshrl.u32 s8, $0x3;
	s10 =	sshrl.u32 s10, $0x3  }
0xf: {  	s5 =	sadd.s32 $0x600, s5;
	s9 =	sadd.s32 s9, s31;
	s7 =	sadd.s32 s7, s10  }
0x10: {  	s10 =	smax.u32 s11, $0x1;
	s11 =	sshrl.u32 s30, $0x3;
	s8 =	sadd.s32 $0x5000, s7  }
.LBB2_1:
0x11: {  	[spmem:s11], [sflag:s6] =	dma.local [hbm:s5], $0x5DC  }
0x12: {  	_ =	swait.ge [sflag:s12], $0x5DC  }
0x13: {  	[sflag:s12] =	ssyncset.done $0x0  }
0x14: {  	[sflag:s12] =	ssyncadd.s32 $0xFFFFFA24  }
0x15: {  	[tilespmem:s3], [sflag:$0x2] =	stream.linear.gather [hbm4b:s7+s3], $0x1400, $0x38;
	[tilespmem:$0x196E0] =	vst v63  }
0x16: {  	_ =	swait.ge [sflag:s12], $0x1400  }
0x17: {  	[sflag:s12] =	ssyncset.done $0x0  }
0x18: {  	[sflag:s12] =	ssyncadd.s32 $0xFFFFEC00  }
0x19: {  	[tilespmem:s13], [sflag:$0x2] =	stream.linear.gather [hbm4b:s8+s3], $0x1400, $0x38;
	[tilespmem:$0x196E0] =	vst v63  }
0x1a: {  	_ =	swait.ge [sflag:s12], $0x1400  }
0x1b: {  	[sflag:s12] =	ssyncset.done $0x0  }
0x1c: {  	s17 =	simm.s32 $0x2800;
	s18 =	simm.s32 $0x200;
	[sflag:s12] =	ssyncadd.s32 $0xFFFFEC00  }
0x1d: {  	s20 =	simm.s32 $0x0;
	s19 =	simm.s32 $0x3000;
	[bflag:$0x0] =	sbarrier.arrive $0xFFFF  }
.LBB2_2:
0x1e: {  	[tilespmem:s17], [sflag:$0x1] =	stream.indirect.gather [hbm4b:s4+s14], $0x10, s20, s14, $0xb8;
	[tilespmem:$0x196E0] =	vst v63  }
0x1f: {  	s20 =	smov.u32 s18;
	s17 =	smov.u32 s19;
	p0 =	sne.s32 s18, $0x4E00  }
.Ltmp0:
0x20: {  	s18 =	sadd.s32 $0x200, s18;
	(pc) =	sbr.rel @p0 .LBB2_2-.Ltmp0, $2  }
0x21: {  	_ =	sdelay $0x2  }
0x22: {  	s19 =	sadd.s32 $0x800, s19;
	s20 =	sshra.s32 s20, $0x2  }
0x23: {  	[tilespmem:s17], [sflag:$0x1] =	stream.indirect.gather [hbm4b:s4+s14], $0x10, s20, s14, $0xb8;
	[tilespmem:$0x196E0] =	vst v63  }
0x24: {  	_ =	swait.ge [sflag:s15], $0x14000  }
0x25: {  	[sflag:s15] =	ssyncset.done $0x0  }
0x26: {  	s17 =	simm.s32 $0x2800;
	s18 =	simm.s32 $0x1400;
	[sflag:s15] =	ssyncadd.s32 $0xFFFEC000  }
0x27: {  	[spmem:s2] =	stream.indirect.scatter.add.f32 [tilespmem:s17], [sflag:$0x2], $0x10, s18, s14, $0xb8;
	[tilespmem:$0x196E0] =	vst v63  }
0x28: {  	s18 =	simm.s32 $0x200;
	_ =	swait.ge [sflag:s12], $0x800  }
.LBB2_4:
0x29: {  	s19 =	sshra.s32 s18, $0x2  }
0x2a: {  	[sflag:s12] =	ssyncset.done $0x0;
	s17 =	sadd.s32 $0x800, s17;
	p0 =	sne.s32 s18, $0x4E00  }
.Ltmp1:
0x2b: {  	s19 =	sadd.s32 $0x1400, s19;
	[sflag:s12] =	ssyncadd.s32 $0xFFFFF800;
	(pc) =	sbr.rel @p0 .LBB2_4-.Ltmp1, $3  }
0x2c: {  	[spmem:s2] =	stream.indirect.scatter.add.f32 [tilespmem:s17], [sflag:$0x2], $0x10, s19, s14, $0xb8;
	[tilespmem:$0x196E0] =	vst v63  }
0x2d: {  	s18 =	sadd.s32 $0x200, s18;
	_ =	sdelay $0x1  }
0x2e: {  	_ =	swait.ge [sflag:s12], $0x800  }
0x2f: {  	[sflag:s12] =	ssyncset.done $0x0;
	s16 =	sadd.s32 $0x1, s16  }
0x30: {  	[sflag:s12] =	ssyncadd.s32 $0xFFFFF800;
	p0 =	sne.s32 s16, s10  }
.Ltmp2:
0x31: {  	[bflag:$0x0] =	sbarrier.arrive $0xFFFF;
	(pc) =	sbr.rel @p0 .LBB2_1-.Ltmp2, $4  }
0x32: {  	[hbm:s9], [sflag:s6] =	dma.local [spmem:s11], $0x5DC  }
0x33: {  	_ =	swait.ge [sflag:s12], $0x5DC  }
0x34: {  	[sflag:s12] =	ssyncset.done $0x0  }
0x35: {  	[sflag:s12] =	ssyncadd.s32 $0xFFFFFA24  }
0x36: {  	_ =	sfence.sel $0x180000  }
0x37: {  	[bflag:$0x0] =	sbarrier.arrive $0xFFFF  }
0x38: {  	p0 =	sne.s32 s1, $0x0;
	_ =	strace $0x90000047  }
0x39: {  	s0 =	sadd.s32 @!p0 $0x100000, s0;
	[bflag:$0x2] =	sbarrier.arrive $0xFFFF  }
0x3a: {  	[sflag:s0] =	ssyncadd.tile.s32 @!p0 $0x1;
	_ =	shalt  }
.Lfunc_end2:
_tile_overlayer_lowered:
.L_overlay_start_2:
0x3b: {  	(tag) =	ssettag $0x2  }
0x3c: {  	s0 =	rddreg [dreg:$0x0];
	s2 =	stileid.u32  }
0x3d: {  	s1 =	rddreg [dreg:$0x1];
	p0 =	sne.s32 s2, $0x0  }
0x3e: {  	s3 =	rddreg [dreg:$0x2];
	[bflag:$0x3] =	sbarrier.arrive $0xFFFF;
	s2 =	simm.s32 @!p0 $0x1C02  }
0x3f: {  	[timem:s3], [sflag:s2] =	dma.local @!p0 [hbm:s0], s1  }
0x40: {  	s0 =	simm.s32 @!p0 $0x2  }
0x41: {  	_ =	swait.ge @!p0 [sflag:s0], s1  }
0x42: {  	s1 =	ssub.s32 @!p0 $0x0, s1;
	[sflag:s0] =	ssyncset.done @!p0 $0x0  }
0x43: {  	[sflag:s0] =	ssyncadd.s32 @!p0 s1  }
0x44: {  	[bflag:$0x3] =	sbarrier.arrive $0xFFFF  }
0x45: {  	_ =	shalt  }

</sc_bundles>
